<compile_context>
chip_gen: v7x
topology: tpu7x:2x2x1
jax: 0.10.2.dev20260603
libtpu: 0.0.44.dev20260713+nightly
codegen_flags: <defaults>
</compile_context>

<pallas_src>
import functools

import jax
import jax.numpy as jnp
from jax import lax
from jax.experimental import pallas as pl
from jax.experimental.pallas import tpu as pltpu
from jax.experimental.pallas import tpu_sc as plsc

_B = 4096
_EMB = 256

_info = plsc.get_sparse_core_info()
_NC = _info.num_cores
_NS = _info.num_subcores
_NW = _NC * _NS
_B_PER_W = _B // _NW


@functools.partial(
    pl.kernel,
    mesh=plsc.VectorSubcoreMesh(core_axis_name="c", subcore_axis_name="s"),
    out_type=jax.ShapeDtypeStruct((_B, 1, 2, _EMB), jnp.float32),
    scratch_types=[
        pltpu.VMEM((2, _B_PER_W), jnp.int32),
        pltpu.VMEM((_B_PER_W, _EMB), jnp.float32),
        pltpu.VMEM((_B_PER_W, _EMB), jnp.float32),
        pltpu.SemaphoreType.DMA,
        pltpu.SemaphoreType.DMA,
    ],
)
def _embed(x_hbm, table_hbm, out_hbm, idx_v, rows1_v, rows2_v, sem_g, sem_s):
    wid = lax.axis_index("s") * _NC + lax.axis_index("c")
    base = wid * _B_PER_W
    pltpu.sync_copy(x_hbm.at[:, pl.ds(base, _B_PER_W)], idx_v)
    g1 = pltpu.async_copy(table_hbm.at[idx_v.at[0]], rows1_v, sem_g)
    g2 = pltpu.async_copy(table_hbm.at[idx_v.at[1]], rows2_v, sem_g)
    g1.wait()
    g2.wait()
    s1 = pltpu.async_copy(
        rows1_v, out_hbm.at[pl.ds(base, _B_PER_W), 0, 0, :], sem_s)
    s2 = pltpu.async_copy(
        rows2_v, out_hbm.at[pl.ds(base, _B_PER_W), 0, 1, :], sem_s)
    s1.wait()
    s2.wait()


def kernel(x, table):
    return _embed(x, table)

# --- scband reference (transcript-rebuilt; emitter-appended) ---
"""Pipeline reference for scband-embedding-34969623724740 (READ-ONLY COPY).

The authoritative reference and input builder live on the scoring server;
editing this copy changes nothing except your own understanding.
"""

import jax, jax.numpy as jnp
import numpy as np

VOCAB = 100000
EMB = 256
BATCH = 4096

def setup_inputs(seed: int = 0) -> dict:
    key = jax.random.key(seed)
    k1, k2 = jax.random.split(key)
    # x packs (con1, con2): two index vectors of concept ids, one pair per batch element
    x = jax.random.randint(k1, (2, BATCH), 0, VOCAB, dtype=jnp.int32)
    # learned embedding table (nn.Embedding weight), vocab=len(concepts_dict)
    table = jax.random.normal(k2, (VOCAB, EMB), dtype=jnp.float32)
    return {"x": x, "table": table}

def reference(x, table):
    # Faithful translation of Embedding.forward.
    # Original loops per batch element doing two embedding lookups, stacking the
    # pair along a new dim, unsqueezing, then stacking over the batch.
    # Vectorized equivalent: gather both index vectors, stack pair dim, add the
    # unsqueezed singleton dim. Output shape: [B, 1, 2, EMB].
    con1 = x[0]
    con2 = x[1]
    emb1 = jnp.take(table, con1, axis=0)  # [B, EMB] -- SparseCore gather
    emb2 = jnp.take(table, con2, axis=0)  # [B, EMB]
    emb = jnp.stack((emb1, emb2), axis=1)  # [B, 2, EMB] (stack dim=0 per-sample)
    emb_batch = emb[:, None, :, :]         # [B, 1, 2, EMB] (unsqueeze dim=0 per-sample, then batch stack)
    return emb_batch

if __name__ == "__main__":
    import jax
    _d = setup_inputs()
    print(jax.jit(kernel)(*tuple(_d.values())))

</pallas_src>

<mosaic_0001>
#map = affine_map<(d0, d1) -> (0, 0)>
#map1 = affine_map<(d0, d1) -> (0, 0, 0, 0)>
module attributes {stable_mosaic.version = 14 : i64} {
  func.func @_embed(%arg0: i32, %arg1: i32, %arg2: memref<2x4096xi32, #tpu.memory_space<hbm>>, %arg3: memref<100000x256xf32, #tpu.memory_space<hbm>>, %arg4: memref<4096x1x2x256xf32, #tpu.memory_space<hbm>>, %arg5: memref<2x128xi32, #tpu.memory_space<vmem>>, %arg6: memref<128x256xf32, #tpu.memory_space<vmem>>, %arg7: memref<128x256xf32, #tpu.memory_space<vmem>>, %arg8: memref<!tpu.dma_semaphore, #tpu.memory_space<semaphore_mem>>, %arg9: memref<!tpu.dma_semaphore, #tpu.memory_space<semaphore_mem>>) attributes {dimension_semantics = [#tpu.dimension_semantics<core_parallel>, #tpu.dimension_semantics<subcore_parallel>], iteration_bounds = array<i64: 2, 16>, scalar_prefetch = 0 : i64, scratch_operands = 5 : i64, tpu.core_type = #tpu.core_type<sc_vector_subcore>, window_params = [{transform_indices = #map}, {transform_indices = #map}, {transform_indices = #map1}]} {
    %mul3A = arith.constant 2 : i32
    %mul3A_0 = arith.muli %arg1, %mul3A : i32
    %add3A = arith.addi %mul3A_0, %arg0 : i32
    %mul3A_1 = arith.constant 128 : i32
    %mul3A_2 = arith.muli %add3A, %mul3A_1 : i32
    "tpu.region"() ({
      %run_scoped3A = tpu.sem_alloc : memref<!tpu.dma_semaphore, #tpu.memory_space<semaphore_mem>>
      %dma_start3A_61 = arith.constant 0 : i32
      %dma_start3A_62 = tpu.memref_slice %arg2[%dma_start3A_61, %mul3A_2] : memref<2x4096xi32, #tpu.memory_space<hbm>> -> memref<2x128xi32, #tpu.memory_space<hbm>>
      %dma_start3A_63 = arith.constant 0 : i32
      %dma_start3A_64 = tpu.memref_slice %arg2[%dma_start3A_63, %mul3A_2] : memref<2x4096xi32, #tpu.memory_space<hbm>> -> memref<2x128xi32, #tpu.memory_space<hbm>>
      tpu.enqueue_dma source(%dma_start3A_64 : memref<2x128xi32, #tpu.memory_space<hbm>>) target(%arg5 : memref<2x128xi32, #tpu.memory_space<vmem>>) target_semaphore(%run_scoped3A : memref<!tpu.dma_semaphore, #tpu.memory_space<semaphore_mem>>)
      %dma_wait3A_65 = arith.constant 0 : i32
      %dma_wait3A_66 = tpu.memref_slice %arg2[%dma_wait3A_65, %mul3A_2] : memref<2x4096xi32, #tpu.memory_space<hbm>> -> memref<2x128xi32, #tpu.memory_space<hbm>>
      %dma_wait3A_67 = arith.constant 0 : i32
      %dma_wait3A_68 = tpu.memref_slice %arg2[%dma_wait3A_67, %mul3A_2] : memref<2x4096xi32, #tpu.memory_space<hbm>> -> memref<2x128xi32, #tpu.memory_space<hbm>>
      tpu.wait_dma2 semaphore(%run_scoped3A : memref<!tpu.dma_semaphore, #tpu.memory_space<semaphore_mem>>) src(%dma_wait3A_68 : memref<2x128xi32, #tpu.memory_space<hbm>>) dst(%arg5 : memref<2x128xi32, #tpu.memory_space<vmem>>)
      tpu.yield
    }) : () -> ()
    %dma_start3A = arith.constant 0 : i32
    %dma_start3A_3 = arith.constant 0 : i32
    %dma_start3A_4 = tpu.memref_slice %arg5[%dma_start3A, %dma_start3A_3] : memref<2x128xi32, #tpu.memory_space<vmem>> -> memref<1x128xi32, #tpu.memory_space<vmem>>
    %dma_start3A_5 = tpu.memref_squeeze %dma_start3A_4 : memref<1x128xi32, #tpu.memory_space<vmem>> -> memref<128xi32, #tpu.memory_space<vmem>>
    %dma_start3A_6 = arith.constant 0 : i32
    %dma_start3A_7 = arith.constant 0 : i32
    %dma_start3A_8 = tpu.memref_slice %arg3[%dma_start3A_6, %dma_start3A_7] : memref<100000x256xf32, #tpu.memory_space<hbm>> -> memref<100000x256xf32, #tpu.memory_space<hbm>>
    tpu.enqueue_indirect_dma source(%dma_start3A_8 : memref<100000x256xf32, #tpu.memory_space<hbm>>) target(%arg6 : memref<128x256xf32, #tpu.memory_space<vmem>>) offsets(%dma_start3A_5 : memref<128xi32, #tpu.memory_space<vmem>>) semaphore(%arg8 : memref<!tpu.dma_semaphore, #tpu.memory_space<semaphore_mem>>)
    %dma_start3A_9 = arith.constant 1 : i32
    %dma_start3A_10 = arith.constant 0 : i32
    %dma_start3A_11 = tpu.memref_slice %arg5[%dma_start3A_9, %dma_start3A_10] : memref<2x128xi32, #tpu.memory_space<vmem>> -> memref<1x128xi32, #tpu.memory_space<vmem>>
    %dma_start3A_12 = tpu.memref_squeeze %dma_start3A_11 : memref<1x128xi32, #tpu.memory_space<vmem>> -> memref<128xi32, #tpu.memory_space<vmem>>
    %dma_start3A_13 = arith.constant 0 : i32
    %dma_start3A_14 = arith.constant 0 : i32
    %dma_start3A_15 = tpu.memref_slice %arg3[%dma_start3A_13, %dma_start3A_14] : memref<100000x256xf32, #tpu.memory_space<hbm>> -> memref<100000x256xf32, #tpu.memory_space<hbm>>
    tpu.enqueue_indirect_dma source(%dma_start3A_15 : memref<100000x256xf32, #tpu.memory_space<hbm>>) target(%arg7 : memref<128x256xf32, #tpu.memory_space<vmem>>) offsets(%dma_start3A_12 : memref<128xi32, #tpu.memory_space<vmem>>) semaphore(%arg8 : memref<!tpu.dma_semaphore, #tpu.memory_space<semaphore_mem>>)
    %dma_wait3A = arith.constant 0 : i32
    %dma_wait3A_16 = arith.constant 0 : i32
    %dma_wait3A_17 = tpu.memref_slice %arg5[%dma_wait3A, %dma_wait3A_16] : memref<2x128xi32, #tpu.memory_space<vmem>> -> memref<1x128xi32, #tpu.memory_space<vmem>>
    %dma_wait3A_18 = tpu.memref_squeeze %dma_wait3A_17 : memref<1x128xi32, #tpu.memory_space<vmem>> -> memref<128xi32, #tpu.memory_space<vmem>>
    %dma_wait3A_19 = arith.constant 0 : i32
    %dma_wait3A_20 = arith.constant 0 : i32
    %dma_wait3A_21 = tpu.memref_slice %arg3[%dma_wait3A_19, %dma_wait3A_20] : memref<100000x256xf32, #tpu.memory_space<hbm>> -> memref<100000x256xf32, #tpu.memory_space<hbm>>
    tpu.wait_indirect_dma semaphore(%arg8 : memref<!tpu.dma_semaphore, #tpu.memory_space<semaphore_mem>>) src(%dma_wait3A_21 : memref<100000x256xf32, #tpu.memory_space<hbm>>) dst(%arg6 : memref<128x256xf32, #tpu.memory_space<vmem>>)
    %dma_wait3A_22 = arith.constant 1 : i32
    %dma_wait3A_23 = arith.constant 0 : i32
    %dma_wait3A_24 = tpu.memref_slice %arg5[%dma_wait3A_22, %dma_wait3A_23] : memref<2x128xi32, #tpu.memory_space<vmem>> -> memref<1x128xi32, #tpu.memory_space<vmem>>
    %dma_wait3A_25 = tpu.memref_squeeze %dma_wait3A_24 : memref<1x128xi32, #tpu.memory_space<vmem>> -> memref<128xi32, #tpu.memory_space<vmem>>
    %dma_wait3A_26 = arith.constant 0 : i32
    %dma_wait3A_27 = arith.constant 0 : i32
    %dma_wait3A_28 = tpu.memref_slice %arg3[%dma_wait3A_26, %dma_wait3A_27] : memref<100000x256xf32, #tpu.memory_space<hbm>> -> memref<100000x256xf32, #tpu.memory_space<hbm>>
    tpu.wait_indirect_dma semaphore(%arg8 : memref<!tpu.dma_semaphore, #tpu.memory_space<semaphore_mem>>) src(%dma_wait3A_28 : memref<100000x256xf32, #tpu.memory_space<hbm>>) dst(%arg7 : memref<128x256xf32, #tpu.memory_space<vmem>>)
    %dma_start3A_29 = arith.constant 0 : i32
    %dma_start3A_30 = arith.constant 0 : i32
    %dma_start3A_31 = arith.constant 0 : i32
    %dma_start3A_32 = tpu.memref_slice %arg4[%mul3A_2, %dma_start3A_29, %dma_start3A_30, %dma_start3A_31] : memref<4096x1x2x256xf32, #tpu.memory_space<hbm>> -> memref<128x1x1x256xf32, #tpu.memory_space<hbm>>
    %dma_start3A_33 = tpu.memref_squeeze %dma_start3A_32 : memref<128x1x1x256xf32, #tpu.memory_space<hbm>> -> memref<128x256xf32, #tpu.memory_space<hbm>>
    %dma_start3A_34 = arith.constant 0 : i32
    %dma_start3A_35 = tpu.memref_slice %arg4[%mul3A_2, %dma_start3A_29, %dma_start3A_30, %dma_start3A_34] : memref<4096x1x2x256xf32, #tpu.memory_space<hbm>> -> memref<128x1x1x256xf32, #tpu.memory_space<hbm>>
    %dma_start3A_36 = tpu.memref_squeeze %dma_start3A_35 : memref<128x1x1x256xf32, #tpu.memory_space<hbm>> -> memref<128x256xf32, #tpu.memory_space<hbm>>
    tpu.enqueue_dma source(%arg6 : memref<128x256xf32, #tpu.memory_space<vmem>>) target(%dma_start3A_36 : memref<128x256xf32, #tpu.memory_space<hbm>>) target_semaphore(%arg9 : memref<!tpu.dma_semaphore, #tpu.memory_space<semaphore_mem>>)
    %dma_start3A_37 = arith.constant 0 : i32
    %dma_start3A_38 = arith.constant 1 : i32
    %dma_start3A_39 = arith.constant 0 : i32
    %dma_start3A_40 = tpu.memref_slice %arg4[%mul3A_2, %dma_start3A_37, %dma_start3A_38, %dma_start3A_39] : memref<4096x1x2x256xf32, #tpu.memory_space<hbm>> -> memref<128x1x1x256xf32, #tpu.memory_space<hbm>>
    %dma_start3A_41 = tpu.memref_squeeze %dma_start3A_40 : memref<128x1x1x256xf32, #tpu.memory_space<hbm>> -> memref<128x256xf32, #tpu.memory_space<hbm>>
    %dma_start3A_42 = arith.constant 0 : i32
    %dma_start3A_43 = tpu.memref_slice %arg4[%mul3A_2, %dma_start3A_37, %dma_start3A_38, %dma_start3A_42] : memref<4096x1x2x256xf32, #tpu.memory_space<hbm>> -> memref<128x1x1x256xf32, #tpu.memory_space<hbm>>
    %dma_start3A_44 = tpu.memref_squeeze %dma_start3A_43 : memref<128x1x1x256xf32, #tpu.memory_space<hbm>> -> memref<128x256xf32, #tpu.memory_space<hbm>>
    tpu.enqueue_dma source(%arg7 : memref<128x256xf32, #tpu.memory_space<vmem>>) target(%dma_start3A_44 : memref<128x256xf32, #tpu.memory_space<hbm>>) target_semaphore(%arg9 : memref<!tpu.dma_semaphore, #tpu.memory_space<semaphore_mem>>)
    %dma_wait3A_45 = arith.constant 0 : i32
    %dma_wait3A_46 = arith.constant 0 : i32
    %dma_wait3A_47 = arith.constant 0 : i32
    %dma_wait3A_48 = tpu.memref_slice %arg4[%mul3A_2, %dma_wait3A_45, %dma_wait3A_46, %dma_wait3A_47] : memref<4096x1x2x256xf32, #tpu.memory_space<hbm>> -> memref<128x1x1x256xf32, #tpu.memory_space<hbm>>
    %dma_wait3A_49 = tpu.memref_squeeze %dma_wait3A_48 : memref<128x1x1x256xf32, #tpu.memory_space<hbm>> -> memref<128x256xf32, #tpu.memory_space<hbm>>
    %dma_wait3A_50 = arith.constant 0 : i32
    %dma_wait3A_51 = tpu.memref_slice %arg4[%mul3A_2, %dma_wait3A_45, %dma_wait3A_46, %dma_wait3A_50] : memref<4096x1x2x256xf32, #tpu.memory_space<hbm>> -> memref<128x1x1x256xf32, #tpu.memory_space<hbm>>
    %dma_wait3A_52 = tpu.memref_squeeze %dma_wait3A_51 : memref<128x1x1x256xf32, #tpu.memory_space<hbm>> -> memref<128x256xf32, #tpu.memory_space<hbm>>
    tpu.wait_dma2 semaphore(%arg9 : memref<!tpu.dma_semaphore, #tpu.memory_space<semaphore_mem>>) src(%arg6 : memref<128x256xf32, #tpu.memory_space<vmem>>) dst(%dma_wait3A_52 : memref<128x256xf32, #tpu.memory_space<hbm>>)
    %dma_wait3A_53 = arith.constant 0 : i32
    %dma_wait3A_54 = arith.constant 1 : i32
    %dma_wait3A_55 = arith.constant 0 : i32
    %dma_wait3A_56 = tpu.memref_slice %arg4[%mul3A_2, %dma_wait3A_53, %dma_wait3A_54, %dma_wait3A_55] : memref<4096x1x2x256xf32, #tpu.memory_space<hbm>> -> memref<128x1x1x256xf32, #tpu.memory_space<hbm>>
    %dma_wait3A_57 = tpu.memref_squeeze %dma_wait3A_56 : memref<128x1x1x256xf32, #tpu.memory_space<hbm>> -> memref<128x256xf32, #tpu.memory_space<hbm>>
    %dma_wait3A_58 = arith.constant 0 : i32
    %dma_wait3A_59 = tpu.memref_slice %arg4[%mul3A_2, %dma_wait3A_53, %dma_wait3A_54, %dma_wait3A_58] : memref<4096x1x2x256xf32, #tpu.memory_space<hbm>> -> memref<128x1x1x256xf32, #tpu.memory_space<hbm>>
    %dma_wait3A_60 = tpu.memref_squeeze %dma_wait3A_59 : memref<128x1x1x256xf32, #tpu.memory_space<hbm>> -> memref<128x256xf32, #tpu.memory_space<hbm>>
    tpu.wait_dma2 semaphore(%arg9 : memref<!tpu.dma_semaphore, #tpu.memory_space<semaphore_mem>>) src(%arg7 : memref<128x256xf32, #tpu.memory_space<vmem>>) dst(%dma_wait3A_60 : memref<128x256xf32, #tpu.memory_space<hbm>>)
    return
  }
}

</mosaic_0001>

<sc_bundles>
// kernel: kernel.3.cloned.1.call-start
scs
__scs_entry_jumppad:
0x0: {  	(pc) =	sbr.rel $0x88, $3  }
0x1: {  	(tag) =	ssettag $0x0;
	lr =	simm.s32 $0x1  }
0x2: {  	[smem:$0x3F9F] =	sst lr;
	_ =	strace $0xD0000000  }
0x3: {  	_ = 	snop  }
0x4: {  	_ = 	snop  }
0x5: {  	_ = 	snop  }
0x6: {  	_ = 	snop  }
0x7: {  	_ = 	snop  }
__scs_overlays_trampoline_lowered:
0x8: {  	[smem:$0x3FAE] =	sst s0  }
0x9: {  	[smem:$0x3FAF] =	sst s1  }
0xa: {  	[smem:$0x3FB0] =	sst s2  }
0xb: {  	[smem:$0x3FB1] =	sst s3  }
0xc: {  	[smem:$0x3FB2] =	sst s4  }
0xd: {  	[smem:$0x3FB3] =	sst s5  }
0xe: {  	[smem:$0x3FB4] =	sst s6  }
0xf: {  	[smem:$0x3FB5] =	sst s7  }
0x10: {  	[smem:$0x3FB6] =	sst s8  }
0x11: {  	[smem:$0x3FB7] =	sst s9;
	s0 =	simm.s32 @!p0 $0x0  }
0x12: {  	s1 =	sld [smem:$0x3F9D];
	s0 =	simm.s32 @p0 $0x1  }
0x13: {  	[smem:$0x3FB8] =	sst s0;
	s0 =	simm.s32 @!p1 $0x0  }
0x14: {  	s2 =	sld [smem:$0x3F9C];
	s0 =	simm.s32 @p1 $0x1  }
0x15: {  	[smem:$0x3FB9] =	sst s0;
	s0 =	simm.s32 @!p2 $0x0  }
0x16: {  	s3 =	sld [smem:$0x3FDB];
	s0 =	simm.s32 @p2 $0x1  }
0x17: {  	s4 =	simm.s32 $0x1BF5;
	[smem:$0x3FBB] =	sst s0  }
0x18: {  	s0 =	sld [smem:$0x3F9E];
	_ =	swait.ge [sflag:s4], $0x0  }
0x19: {  	s7 =	sld [smem:$0x3F9F]  }
0x1a: {  	s8 =	sadd.s32 $0xFFFFE003, lr  }
0x1b: {  	s9 =	sadd.s32 $0xFFFFFEF7, lr;
	s5 =	simm.s32 $0xFFFFFFFF;
	p2 =	slt.u32 s8, $0xFFFFF086  }
0x1c: {  	p1 =	slt.u32 s9, $0xF7A;
	s5 =	simm.s32 @!p2 $0x0  }
0x1d: {  	s5 =	simm.s32 @p1 $0x1;
	p0 =	seq.s32 s7, s2  }
0x1e: {  	s7 =	smul.u32 @!p0 $0xF7A, s2;
	p2 =	seq.s32 @!p0 s5, $0x0  }
0x1f: {  	s9 =	smul.u32 $0xF7A, s1;
	s8 =	simm.s32 @!p0 $0x1BF5;
	p2 =	por !p2, p0  }
0x20: {  	[sflag:s8] =	ssyncset.s32 @!p0 $0xFFFFF086;
	s6 =	sadd.s32 @!p0 s3, s7;
	s7 =	simm.s32 @!p0 $0x108  }
0x21: {  	s3 =	sadd.s32 s3, s9;
	s6 =	sadd.s32 @!p0 $0x88, s6;
	s7 =	simm.s32 @p2 $0x1082  }
0x22: {  	[simem:s7], [sflag:s8] =	dma.local @!p0 [hbm:s6], $0xF7A  }
0x23: {  	s9 =	sor.u32 $0xD0000000, s2;
	s6 =	simm.s32 $0x108;
	_ =	swait.ge @!p0 [sflag:s8], $0x0  }
0x24: {  	s3 =	sadd.s32 $0x88, s3;
	s6 =	simm.s32 @!p1 $0x1082;
	[sflag:s4] =	ssyncset.s32 $0xFFFFF086  }
0x25: {  	[simem:s6], [sflag:s4] =	dma.local [hbm:s3], $0xF7A  }
0x26: {  	[smem:$0x3F9F] =	sst s1;
	(tag) =	ssettag s2;
	_ =	strace s9  }
0x27: {  	s1 =	sld [smem:$0x3FAF]  }
0x28: {  	s2 =	sld [smem:$0x3FB0]  }
0x29: {  	s4 =	sld [smem:$0x3FB2]  }
0x2a: {  	p0 =	seq.s32 s5, $0x0;
	s5 =	sld [smem:$0x3FB3]  }
0x2b: {  	s6 =	sld [smem:$0x3FB4]  }
0x2c: {  	s7 =	sld [smem:$0x3FB5]  }
0x2d: {  	s3 =	simm.s32 $0x108;
	s8 =	sld [smem:$0x3FB6]  }
0x2e: {  	s3 =	simm.s32 @!p0 $0x1082;
	s9 =	sld [smem:$0x3FB7]  }
0x2f: {  	lr =	sadd.s32 s0, s3;
	s0 =	sld [smem:$0x3FAE]  }
0x30: {  	s3 =	sld [smem:$0x3FB1]  }
0x31: {  	[smem:$0x3FBA] =	sst s10  }
0x32: {  	s10 =	sld [smem:$0x3FB8];
	_ =	sdelay $0x3  }
0x33: {  	p0 =	seq.s32 s10, $0x1;
	s10 =	sld [smem:$0x3FBA];
	_ =	sdelay $0x3  }
0x34: {  	[smem:$0x3FBA] =	sst s10  }
0x35: {  	s10 =	sld [smem:$0x3FB9];
	_ =	sdelay $0x3  }
0x36: {  	p1 =	seq.s32 s10, $0x1;
	s10 =	sld [smem:$0x3FBA];
	_ =	sdelay $0x3  }
0x37: {  	[smem:$0x3FBA] =	sst s10  }
0x38: {  	s10 =	sld [smem:$0x3FBB]  }
0x39: {  	_ = 	snop;
	(pc) =	sbr.ind lr, $3  }
0x3a: {  	_ = 	snop  }
0x3b: {  	_ = 	snop  }
0x3c: {  	p2 =	seq.s32 s10, $0x1;
	s10 =	sld [smem:$0x3FBA]  }
0x3d: {  	_ =	shalt  }
0x3e: {  	_ =	shalt  }
0x3f: {  	_ =	shalt  }
0x40: {  	_ =	shalt  }
0x41: {  	_ =	shalt  }
0x42: {  	_ =	shalt  }
0x43: {  	_ =	shalt  }
0x44: {  	_ =	shalt  }
0x45: {  	_ =	shalt  }
0x46: {  	_ =	shalt  }
0x47: {  	_ =	shalt  }
0x48: {  	_ =	shalt  }
0x49: {  	_ =	shalt  }
0x4a: {  	_ =	shalt  }
0x4b: {  	_ =	shalt  }
0x4c: {  	_ =	shalt  }
0x4d: {  	_ =	shalt  }
0x4e: {  	_ =	shalt  }
0x4f: {  	_ =	shalt  }
0x50: {  	_ =	shalt  }
0x51: {  	_ =	shalt  }
0x52: {  	_ =	shalt  }
0x53: {  	_ =	shalt  }
0x54: {  	_ =	shalt  }
0x55: {  	_ =	shalt  }
0x56: {  	_ =	shalt  }
0x57: {  	_ =	shalt  }
0x58: {  	_ =	shalt  }
0x59: {  	_ =	shalt  }
0x5a: {  	_ =	shalt  }
0x5b: {  	_ =	shalt  }
0x5c: {  	_ =	shalt  }
0x5d: {  	_ =	shalt  }
0x5e: {  	_ =	shalt  }
0x5f: {  	_ =	shalt  }
0x60: {  	_ =	shalt  }
0x61: {  	_ =	shalt  }
0x62: {  	_ =	shalt  }
0x63: {  	_ =	shalt  }
0x64: {  	_ =	shalt  }
0x65: {  	_ =	shalt  }
0x66: {  	_ =	shalt  }
0x67: {  	_ =	shalt  }
0x68: {  	_ =	shalt  }
0x69: {  	_ =	shalt  }
0x6a: {  	_ =	shalt  }
0x6b: {  	_ =	shalt  }
0x6c: {  	_ =	shalt  }
0x6d: {  	_ =	shalt  }
0x6e: {  	_ =	shalt  }
0x6f: {  	_ =	shalt  }
0x70: {  	_ =	shalt  }
0x71: {  	_ =	shalt  }
0x72: {  	_ =	shalt  }
0x73: {  	_ =	shalt  }
0x74: {  	_ =	shalt  }
0x75: {  	_ =	shalt  }
0x76: {  	_ =	shalt  }
0x77: {  	_ =	shalt  }
0x78: {  	_ =	shalt  }
0x79: {  	_ =	shalt  }
0x7a: {  	_ =	shalt  }
0x7b: {  	_ =	shalt  }
0x7c: {  	_ =	shalt  }
0x7d: {  	_ =	shalt  }
0x7e: {  	_ =	shalt  }
0x7f: {  	_ =	shalt  }
0x80: {  	_ =	shalt  }
0x81: {  	_ =	shalt  }
0x82: {  	_ =	shalt  }
0x83: {  	_ =	shalt  }
0x84: {  	_ =	shalt  }
0x85: {  	_ =	shalt  }
0x86: {  	_ =	shalt  }
0x87: {  	_ =	shalt  }
.Lfunc_end0:
.L_simem_size_0:
called_computation_lowered:
.L_overlay_start_0:
0x88: {  	s2 =	sld [smem:$0x3FD9]  }
0x89: {  	s3 =	sld [smem:$0x3FFE];
	_ =	sdelay $0x1  }
0x8a: {  	s1 =	srdreg.scid  }
0x8b: {  	s0 =	sand.u32 $0x1, s1  }
0x8c: {  	s18 =	sshll.u32 s0, $0xA;
	s2 =	sadd.s32 s3, s2  }
0x8d: {  	s2 =	sadd.s32 s2, s18  }
0x8e: {  	[smem:$0x3FC6] =	sst s2  }
0x8f: {  	_ = 	snop  }
0x90: {  	s2 =	sld [smem:$0x3FC9]  }
0x91: {  	s19 =	sld [smem:$0x3FC8]  }
0x92: {  	s4 =	sld [smem:$0x3FD0];
	(tm) =	ssettm $0x1  }
0x93: {  	s5 =	sld [smem:$0x3FFB];
	_ =	sdelay $0x3  }
0x94: {  	_ =	strace s5  }
0x95: {  	s5 =	sld [smem:$0x3FFC];
	_ =	sdelay $0x3  }
0x96: {  	_ =	strace s5  }
0x97: {  	s5 =	sld [smem:$0x3FFD];
	_ =	sdelay $0x3  }
0x98: {  	_ =	strace s5  }
0x99: {  	_ =	strace $0x8FFFFFFF  }
0x9a: {  	s20 =	sld [smem:$0x3FDB];
	_ =	sdelay $0x1  }
0x9b: {  	s6 =	simm.s32 $_scs_section_size  }
0x9c: {  	s7 =	simm.s32 $_size__tile_overlayer_lowered;
	s8 =	simm.s32 $_tile_overlayer_lowered  }
0x9d: {  	s23 =	simm.s32 $0x1BFF;
	s22 =	sshll.u32 s8, $0x1;
	s5 =	sadd.s32 s6, s20  }
0x9e: {  	s9 =	simm.s32 $0x0;
	s21 =	sshll.u32 s7, $0x1;
	s7 =	sadd.s32 s22, s5  }
0x9f: {  	[timem:s9], [sflag:s23] =	dma.local [hbm:s7], s21  }
0xa0: {  	_ =	swait.ge [sflag:s23], s21  }
0xa1: {  	s6 =	ssub.s32 $0x0, s21;
	[sflag:s23] =	ssyncset.done $0x0  }
0xa2: {  	[sflag:s23] =	ssyncadd.s32 s6;
	_ =	sdelay $0x1  }
0xa3: {  	s24 =	simm.s32 $0x1B8B  }
0xa4: {  	_ =	swait.ge [sflag:s24], $0x1  }
0xa5: {  	[sflag:s24] =	ssyncset.done $0x0  }
0xa6: {  	s25 =	simm.s32 $0x1B8E;
	[sflag:s24] =	ssyncadd.s32 $0xFFFFFFFF  }
0xa7: {  	s26 =	simm.s32 $execute0_lowered;
	[smem:$0x3FD2] =	sst s25  }
0xa8: {  	s6 =	sshll.u32 s26, $0x1;
	_ =	strace $0x80000046;
	[dreg:$0x1] =	wrdreg $0xFFFFFFFF  }
0xa9: {  	s28 =	simm.s32 $_size_execute0_lowered;
	s5 =	sadd.s32 s5, s6;
	[dreg:$0x0] =	wrdreg $0x0  }
0xaa: {  	s6 =	sshll.u32 s28, $0x1;
	[dreg:$0x2] =	wrdreg s5  }
0xab: {  	[dreg:$0x3] =	wrdreg s6  }
0xac: {  	[dreg:$0x4] =	wrdreg $0xC0  }
0xad: {  	_ =	task [dreg:s9], $0x5FFFF  }
0xae: {  	[dreg:$0x1] =	wrdreg $0xFFFFFFFF  }
0xaf: {  	[dreg:$0x0] =	wrdreg $0x60  }
0xb0: {  	[dreg:$0x2] =	wrdreg s2  }
0xb1: {  	[dreg:$0x3] =	wrdreg s19  }
0xb2: {  	[dreg:$0x4] =	wrdreg s4  }
0xb3: {  	[dreg:$0x5] =	wrdreg $0x9  }
0xb4: {  	_ =	task.clear_ibuf [dreg:s9], $0x6FFFF;
	_ =	strace $0x90000046  }
0xb5: {  	s29 =	simm.s32 $0x9;
	_ =	strace $0x80000048  }
0xb6: {  	_ =	swait.ge [sflag:s29], $0x1  }
0xb7: {  	[sflag:s29] =	ssyncadd.s32 $0xFFFFFFFF  }
0xb8: {  	_ =	strace $0x90000048  }
0xb9: {  	_ =	sfence  }
0xba: {  	s30 =	sld [smem:$0x0];
	_ =	sdelay $0x2  }
0xbb: {  	s31 =	sshll.u32 s1, $0xD;
	s1 =	sshrl.u32 s1, $0x2  }
0xbc: {  	s3 =	sand.u32 $0x4000, s31;
	s1 =	sadd.s32 s1, s30  }
0xbd: {  	s0 =	sor.u32 s3, s0;
	s1 =	sshll.u32 s1, $0x11  }
0xbe: {  	s0 =	sor.u32 s1, s0  }
0xbf: {  	s0 =	sadd.s32 $0x8F2B, s0  }
0xc0: {  	[sflag:s0] =	ssyncadd.remote.s32 $0x1  }
0xc1: {  	_ =	sfence.sel $0xFFFF  }
0xc2: {  	[dreg:$0x0] =	wrdreg $0xFFFFFFFF;
	(pc) =	sbr.abs _section_cstart, $3  }
0xc3: {  	[dreg:$0x1] =	wrdreg $0xFFFFFFFF  }
0xc4: {  	_ =	task.clear_ibuf [dreg:s9], $0x2FFFF;
	_ =	strace $0x9FFFFFFF  }
0xc5: {  	(tm) =	ssettm $0x7FFFFFFF  }
tec
execute0_lowered:
.L_overlay_start_1:
0x0: {  	(tag) =	ssettag $0x1  }
0x1: {  	s0 =	rddreg [dreg:$0x0]  }
0x2: {  	s1 =	rddreg [dreg:$0x1]  }
0x3: {  	s2 =	rddreg [dreg:$0x2];
	s3 =	simm.s32 $0x0;
	s4 =	srdreg.scid  }
0x4: {  	s5 =	stileid.u32;
	s25 =	simm.s32 $0x8900;
	s28 =	simm.s32 $0x9900  }
0x5: {  	s29 =	simm.s32 $0xA100;
	s30 =	simm.s32 $0xA900;
	s31 =	simm.s32 $0xB100  }
0x6: {  	s10 =	simm.s32 $0xD100;
	s11 =	simm.s32 $0xD900;
	s12 =	simm.s32 $0xE100  }
0x7: {  	s13 =	simm.s32 $0xE900;
	s14 =	simm.s32 $0xF100;
	s15 =	simm.s32 $0xF900  }
0x8: {  	s16 =	simm.s32 $0x1;
	s17 =	simm.s32 $0x80;
	s18 =	simm.s32 $0x200  }
0x9: {  	s19 =	simm.s32 $0x2;
	s20 =	simm.s32 $0x0;
	s4 =	sand.u32 $0x1, s4  }
0xa: {  	[smem:$0x7FF] =	sst s3;
	s5 =	sshll.u32 s5, $0x1;
	s6 =	ssub.s32 $0x2, s4  }
0xb: {  	_ =	strace $0x80000047;
	s4 =	sor.u32 s4, s5;
	s26 =	sshrl.u32 s6, $0x1  }
0xc: {  	s7 =	sshll.u32 s4, $0x5;
	s8 =	sshll.u32 s4, $0xD;
	s9 =	ssub.s32 s6, s26  }
0xd: {  	v2 =	vlaneseq.u32;
	s4 =	sadd.s32 s0, s7;
	s5 =	sadd.s32 s2, s8;
	s8 =	simm.s32 $0x3  }
0xe: {  	vm0 =	vmmov $0xffff;
	v1 =	vshrl.u32 v2, $0x3;
	s26 =	simm.s32 $0x9100;
	s0 =	simm.s32 $0xB900;
	s2 =	simm.s32 $0xC100  }
0xf: {  	v0 =	vand.u32 $0x7, v2;
	v2 =	vor.u32 $0x8, v2;
	v1 =	vmul.u32 $0x8, v1;
	s6 =	sadd.s32 $0x10, s5;
	s7 =	smax.u32 s9, $0x1;
	s9 =	simm.s32 $0xC900  }
.LBB2_1:
0x10: {  	[tilespmem:s3], [sflag:$0x3] =	stream.linear.gather [hbm4b:s4+s3], $0x100, $0x38;
	[tilespmem:$0x10100] =	vst v63  }
0x11: {  	_ =	swait.ge [sflag:s8], $0x100  }
0x12: {  	[sflag:s8] =	ssyncset.done $0x0  }
0x13: {  	[sflag:s8] =	ssyncadd.s32 $0xFFFFFF00  }
0x14: {  	v3 =	vld [tilespmem:$0x0];
	_ =	sdelay $0x4  }
0x15: {  	v4 =	vshll.u32 v3, $0x1  }
0x16: {  	v3 =	vand.u32 $0x7, v3;
	v4 =	vand.u32 $0xFFFFFFF0, v4  }
0x17: {  	v3 =	vor.u32 v3, v4  }
0x18: {  	v4 =	vperm.xlane v3, v0;
	_ =	sdelay $0x1  }
0x19: {  	v3 =	vperm.xlane v3, v2;
	v4 =	vadd.s32 v1, v4;
	_ =	sdelay $0x1  }
0x1a: {  	v3 =	vadd.s32 v1, v3;
	_ =	sdelay $0x1  }
0x1b: {  	s21 =	simm.s32 $0x100  }
0x1c: {  	[tilespmem:s21], [sflag:$0x1] =	stream.indirect_vreg.gather [hbm4b:s1+s3], $0x80, v4, vm0, $0xb8;
	[tilespmem:$0x10100] =	vst v63  }
0x1d: {  	s22 =	simm.s32 $0x900  }
0x1e: {  	[tilespmem:s22], [sflag:$0x1] =	stream.indirect_vreg.gather [hbm4b:s1+s3], $0x80, v3, vm0, $0xb8;
	[tilespmem:$0x10100] =	vst v63  }
0x1f: {  	v3 =	vld [tilespmem:$0x10];
	_ =	sdelay $0x4  }
0x20: {  	v49 =	vshll.u32 v3, $0x1  }
0x21: {  	v3 =	vand.u32 $0x7, v3;
	v4 =	vand.u32 $0xFFFFFFF0, v49  }
0x22: {  	v3 =	vor.u32 v3, v4  }
0x23: {  	v4 =	vperm.xlane v3, v0;
	_ =	sdelay $0x1  }
0x24: {  	v3 =	vperm.xlane v3, v2;
	v4 =	vadd.s32 v1, v4;
	_ =	sdelay $0x1  }
0x25: {  	v3 =	vadd.s32 v1, v3;
	_ =	sdelay $0x1  }
0x26: {  	s23 =	simm.s32 $0x1100  }
0x27: {  	[tilespmem:s23], [sflag:$0x1] =	stream.indirect_vreg.gather [hbm4b:s1+s3], $0x80, v4, vm0, $0xb8;
	[tilespmem:$0x10100] =	vst v63  }
0x28: {  	s24 =	simm.s32 $0x1900  }
0x29: {  	[tilespmem:s24], [sflag:$0x1] =	stream.indirect_vreg.gather [hbm4b:s1+s3], $0x80, v3, vm0, $0xb8;
	[tilespmem:$0x10100] =	vst v63  }
0x2a: {  	v3 =	vld [tilespmem:$0x20];
	_ =	sdelay $0x4  }
0x2b: {  	v50 =	vshll.u32 v3, $0x1  }
0x2c: {  	v3 =	vand.u32 $0x7, v3;
	v4 =	vand.u32 $0xFFFFFFF0, v50  }
0x2d: {  	v3 =	vor.u32 v3, v4  }
0x2e: {  	v4 =	vperm.xlane v3, v0;
	_ =	sdelay $0x1  }
0x2f: {  	v3 =	vperm.xlane v3, v2;
	v4 =	vadd.s32 v1, v4;
	_ =	sdelay $0x1  }
0x30: {  	v3 =	vadd.s32 v1, v3;
	_ =	sdelay $0x1  }
0x31: {  	s23 =	simm.s32 $0x2100  }
0x32: {  	[tilespmem:s23], [sflag:$0x1] =	stream.indirect_vreg.gather [hbm4b:s1+s3], $0x80, v4, vm0, $0xb8;
	[tilespmem:$0x10100] =	vst v63  }
0x33: {  	s24 =	simm.s32 $0x2900  }
0x34: {  	[tilespmem:s24], [sflag:$0x1] =	stream.indirect_vreg.gather [hbm4b:s1+s3], $0x80, v3, vm0, $0xb8;
	[tilespmem:$0x10100] =	vst v63  }
0x35: {  	v3 =	vld [tilespmem:$0x30];
	_ =	sdelay $0x4  }
0x36: {  	v51 =	vshll.u32 v3, $0x1  }
0x37: {  	v3 =	vand.u32 $0x7, v3;
	v4 =	vand.u32 $0xFFFFFFF0, v51  }
0x38: {  	v3 =	vor.u32 v3, v4  }
0x39: {  	v4 =	vperm.xlane v3, v0;
	_ =	sdelay $0x1  }
0x3a: {  	v3 =	vperm.xlane v3, v2;
	v4 =	vadd.s32 v1, v4;
	_ =	sdelay $0x1  }
0x3b: {  	v3 =	vadd.s32 v1, v3;
	_ =	sdelay $0x1  }
0x3c: {  	s23 =	simm.s32 $0x3100  }
0x3d: {  	[tilespmem:s23], [sflag:$0x1] =	stream.indirect_vreg.gather [hbm4b:s1+s3], $0x80, v4, vm0, $0xb8;
	[tilespmem:$0x10100] =	vst v63  }
0x3e: {  	s24 =	simm.s32 $0x3900  }
0x3f: {  	[tilespmem:s24], [sflag:$0x1] =	stream.indirect_vreg.gather [hbm4b:s1+s3], $0x80, v3, vm0, $0xb8;
	[tilespmem:$0x10100] =	vst v63  }
0x40: {  	v3 =	vld [tilespmem:$0x40];
	_ =	sdelay $0x4  }
0x41: {  	v52 =	vshll.u32 v3, $0x1  }
0x42: {  	v3 =	vand.u32 $0x7, v3;
	v4 =	vand.u32 $0xFFFFFFF0, v52  }
0x43: {  	v3 =	vor.u32 v3, v4  }
0x44: {  	v4 =	vperm.xlane v3, v0;
	_ =	sdelay $0x1  }
0x45: {  	v3 =	vperm.xlane v3, v2;
	v4 =	vadd.s32 v1, v4;
	_ =	sdelay $0x1  }
0x46: {  	v3 =	vadd.s32 v1, v3;
	_ =	sdelay $0x1  }
0x47: {  	s23 =	simm.s32 $0x4100  }
0x48: {  	[tilespmem:s23], [sflag:$0x1] =	stream.indirect_vreg.gather [hbm4b:s1+s3], $0x80, v4, vm0, $0xb8;
	[tilespmem:$0x10100] =	vst v63  }
0x49: {  	s24 =	simm.s32 $0x4900  }
0x4a: {  	[tilespmem:s24], [sflag:$0x1] =	stream.indirect_vreg.gather [hbm4b:s1+s3], $0x80, v3, vm0, $0xb8;
	[tilespmem:$0x10100] =	vst v63  }
0x4b: {  	v3 =	vld [tilespmem:$0x50];
	_ =	sdelay $0x4  }
0x4c: {  	v53 =	vshll.u32 v3, $0x1  }
0x4d: {  	v3 =	vand.u32 $0x7, v3;
	v4 =	vand.u32 $0xFFFFFFF0, v53  }
0x4e: {  	v3 =	vor.u32 v3, v4  }
0x4f: {  	v4 =	vperm.xlane v3, v0;
	_ =	sdelay $0x1  }
0x50: {  	v3 =	vperm.xlane v3, v2;
	v4 =	vadd.s32 v1, v4;
	_ =	sdelay $0x1  }
0x51: {  	v3 =	vadd.s32 v1, v3;
	_ =	sdelay $0x1  }
0x52: {  	s23 =	simm.s32 $0x5100  }
0x53: {  	[tilespmem:s23], [sflag:$0x1] =	stream.indirect_vreg.gather [hbm4b:s1+s3], $0x80, v4, vm0, $0xb8;
	[tilespmem:$0x10100] =	vst v63  }
0x54: {  	s24 =	simm.s32 $0x5900  }
0x55: {  	[tilespmem:s24], [sflag:$0x1] =	stream.indirect_vreg.gather [hbm4b:s1+s3], $0x80, v3, vm0, $0xb8;
	[tilespmem:$0x10100] =	vst v63  }
0x56: {  	v3 =	vld [tilespmem:$0x60];
	_ =	sdelay $0x4  }
0x57: {  	v54 =	vshll.u32 v3, $0x1  }
0x58: {  	v3 =	vand.u32 $0x7, v3;
	v4 =	vand.u32 $0xFFFFFFF0, v54  }
0x59: {  	v3 =	vor.u32 v3, v4  }
0x5a: {  	v4 =	vperm.xlane v3, v0;
	_ =	sdelay $0x1  }
0x5b: {  	v3 =	vperm.xlane v3, v2;
	v4 =	vadd.s32 v1, v4;
	_ =	sdelay $0x1  }
0x5c: {  	v3 =	vadd.s32 v1, v3;
	_ =	sdelay $0x1  }
0x5d: {  	s23 =	simm.s32 $0x6100  }
0x5e: {  	[tilespmem:s23], [sflag:$0x1] =	stream.indirect_vreg.gather [hbm4b:s1+s3], $0x80, v4, vm0, $0xb8;
	[tilespmem:$0x10100] =	vst v63  }
0x5f: {  	s24 =	simm.s32 $0x6900  }
0x60: {  	[tilespmem:s24], [sflag:$0x1] =	stream.indirect_vreg.gather [hbm4b:s1+s3], $0x80, v3, vm0, $0xb8;
	[tilespmem:$0x10100] =	vst v63  }
0x61: {  	v3 =	vld [tilespmem:$0x70];
	_ =	sdelay $0x4  }
0x62: {  	v55 =	vshll.u32 v3, $0x1  }
0x63: {  	v3 =	vand.u32 $0x7, v3;
	v4 =	vand.u32 $0xFFFFFFF0, v55  }
0x64: {  	v3 =	vor.u32 v3, v4  }
0x65: {  	v4 =	vperm.xlane v3, v0;
	_ =	sdelay $0x1  }
0x66: {  	v3 =	vperm.xlane v3, v2;
	v4 =	vadd.s32 v1, v4;
	_ =	sdelay $0x1  }
0x67: {  	v3 =	vadd.s32 v1, v3;
	_ =	sdelay $0x1  }
0x68: {  	s23 =	simm.s32 $0x7100  }
0x69: {  	[tilespmem:s23], [sflag:$0x1] =	stream.indirect_vreg.gather [hbm4b:s1+s3], $0x80, v4, vm0, $0xb8;
	[tilespmem:$0x10100] =	vst v63  }
0x6a: {  	s24 =	simm.s32 $0x7900  }
0x6b: {  	[tilespmem:s24], [sflag:$0x1] =	stream.indirect_vreg.gather [hbm4b:s1+s3], $0x80, v3, vm0, $0xb8;
	[tilespmem:$0x10100] =	vst v63  }
0x6c: {  	v3 =	vld [tilespmem:$0x80];
	_ =	sdelay $0x4  }
0x6d: {  	v56 =	vshll.u32 v3, $0x1  }
0x6e: {  	v3 =	vand.u32 $0x7, v3;
	v4 =	vand.u32 $0xFFFFFFF0, v56  }
0x6f: {  	v3 =	vor.u32 v3, v4  }
0x70: {  	v4 =	vperm.xlane v3, v0;
	_ =	sdelay $0x1  }
0x71: {  	v3 =	vperm.xlane v3, v2;
	v4 =	vadd.s32 v1, v4;
	_ =	sdelay $0x1  }
0x72: {  	v3 =	vadd.s32 v1, v3;
	_ =	sdelay $0x1  }
0x73: {  	s23 =	simm.s32 $0x8100  }
0x74: {  	[tilespmem:s23], [sflag:$0x1] =	stream.indirect_vreg.gather [hbm4b:s1+s3], $0x80, v4, vm0, $0xb8;
	[tilespmem:$0x10100] =	vst v63  }
0x75: {  	_ = 	snop  }
0x76: {  	[tilespmem:s25], [sflag:$0x1] =	stream.indirect_vreg.gather [hbm4b:s1+s3], $0x80, v3, vm0, $0xb8;
	[tilespmem:$0x10100] =	vst v63  }
0x77: {  	v3 =	vld [tilespmem:$0x90];
	_ =	sdelay $0x4  }
0x78: {  	v57 =	vshll.u32 v3, $0x1  }
0x79: {  	v3 =	vand.u32 $0x7, v3;
	v4 =	vand.u32 $0xFFFFFFF0, v57  }
0x7a: {  	v3 =	vor.u32 v3, v4  }
0x7b: {  	v4 =	vperm.xlane v3, v0;
	_ =	sdelay $0x1  }
0x7c: {  	v3 =	vperm.xlane v3, v2;
	v4 =	vadd.s32 v1, v4;
	_ =	sdelay $0x1  }
0x7d: {  	v3 =	vadd.s32 v1, v3;
	_ =	sdelay $0x2  }
0x7e: {  	[tilespmem:s26], [sflag:$0x1] =	stream.indirect_vreg.gather [hbm4b:s1+s3], $0x80, v4, vm0, $0xb8;
	[tilespmem:$0x10100] =	vst v63  }
0x7f: {  	_ = 	snop  }
0x80: {  	[tilespmem:s28], [sflag:$0x1] =	stream.indirect_vreg.gather [hbm4b:s1+s3], $0x80, v3, vm0, $0xb8;
	[tilespmem:$0x10100] =	vst v63  }
0x81: {  	v3 =	vld [tilespmem:$0xA0];
	_ =	sdelay $0x4  }
0x82: {  	v58 =	vshll.u32 v3, $0x1  }
0x83: {  	v3 =	vand.u32 $0x7, v3;
	v4 =	vand.u32 $0xFFFFFFF0, v58  }
0x84: {  	v3 =	vor.u32 v3, v4  }
0x85: {  	v4 =	vperm.xlane v3, v0;
	_ =	sdelay $0x1  }
0x86: {  	v3 =	vperm.xlane v3, v2;
	v4 =	vadd.s32 v1, v4;
	_ =	sdelay $0x1  }
0x87: {  	v3 =	vadd.s32 v1, v3;
	_ =	sdelay $0x2  }
0x88: {  	[tilespmem:s29], [sflag:$0x1] =	stream.indirect_vreg.gather [hbm4b:s1+s3], $0x80, v4, vm0, $0xb8;
	[tilespmem:$0x10100] =	vst v63  }
0x89: {  	_ = 	snop  }
0x8a: {  	[tilespmem:s30], [sflag:$0x1] =	stream.indirect_vreg.gather [hbm4b:s1+s3], $0x80, v3, vm0, $0xb8;
	[tilespmem:$0x10100] =	vst v63  }
0x8b: {  	v3 =	vld [tilespmem:$0xB0];
	_ =	sdelay $0x4  }
0x8c: {  	v59 =	vshll.u32 v3, $0x1  }
0x8d: {  	v3 =	vand.u32 $0x7, v3;
	v4 =	vand.u32 $0xFFFFFFF0, v59  }
0x8e: {  	v3 =	vor.u32 v3, v4  }
0x8f: {  	v4 =	vperm.xlane v3, v0;
	_ =	sdelay $0x1  }
0x90: {  	v3 =	vperm.xlane v3, v2;
	v4 =	vadd.s32 v1, v4;
	_ =	sdelay $0x1  }
0x91: {  	v3 =	vadd.s32 v1, v3;
	_ =	sdelay $0x2  }
0x92: {  	[tilespmem:s31], [sflag:$0x1] =	stream.indirect_vreg.gather [hbm4b:s1+s3], $0x80, v4, vm0, $0xb8;
	[tilespmem:$0x10100] =	vst v63  }
0x93: {  	_ = 	snop  }
0x94: {  	[tilespmem:s0], [sflag:$0x1] =	stream.indirect_vreg.gather [hbm4b:s1+s3], $0x80, v3, vm0, $0xb8;
	[tilespmem:$0x10100] =	vst v63  }
0x95: {  	v3 =	vld [tilespmem:$0xC0];
	_ =	sdelay $0x4  }
0x96: {  	v60 =	vshll.u32 v3, $0x1  }
0x97: {  	v3 =	vand.u32 $0x7, v3;
	v4 =	vand.u32 $0xFFFFFFF0, v60  }
0x98: {  	v3 =	vor.u32 v3, v4  }
0x99: {  	v4 =	vperm.xlane v3, v0;
	_ =	sdelay $0x1  }
0x9a: {  	v3 =	vperm.xlane v3, v2;
	v4 =	vadd.s32 v1, v4;
	_ =	sdelay $0x1  }
0x9b: {  	v3 =	vadd.s32 v1, v3;
	_ =	sdelay $0x2  }
0x9c: {  	[tilespmem:s2], [sflag:$0x1] =	stream.indirect_vreg.gather [hbm4b:s1+s3], $0x80, v4, vm0, $0xb8;
	[tilespmem:$0x10100] =	vst v63  }
0x9d: {  	_ = 	snop  }
0x9e: {  	[tilespmem:s9], [sflag:$0x1] =	stream.indirect_vreg.gather [hbm4b:s1+s3], $0x80, v3, vm0, $0xb8;
	[tilespmem:$0x10100] =	vst v63  }
0x9f: {  	v3 =	vld [tilespmem:$0xD0];
	_ =	sdelay $0x4  }
0xa0: {  	v61 =	vshll.u32 v3, $0x1  }
0xa1: {  	v3 =	vand.u32 $0x7, v3;
	v4 =	vand.u32 $0xFFFFFFF0, v61  }
0xa2: {  	v3 =	vor.u32 v3, v4  }
0xa3: {  	v4 =	vperm.xlane v3, v0;
	_ =	sdelay $0x1  }
0xa4: {  	v3 =	vperm.xlane v3, v2;
	v4 =	vadd.s32 v1, v4;
	_ =	sdelay $0x1  }
0xa5: {  	v3 =	vadd.s32 v1, v3;
	_ =	sdelay $0x2  }
0xa6: {  	[tilespmem:s10], [sflag:$0x1] =	stream.indirect_vreg.gather [hbm4b:s1+s3], $0x80, v4, vm0, $0xb8;
	[tilespmem:$0x10100] =	vst v63  }
0xa7: {  	_ = 	snop  }
0xa8: {  	[tilespmem:s11], [sflag:$0x1] =	stream.indirect_vreg.gather [hbm4b:s1+s3], $0x80, v3, vm0, $0xb8;
	[tilespmem:$0x10100] =	vst v63  }
0xa9: {  	v3 =	vld [tilespmem:$0xE0];
	_ =	sdelay $0x4  }
0xaa: {  	v62 =	vshll.u32 v3, $0x1  }
0xab: {  	v3 =	vand.u32 $0x7, v3;
	v4 =	vand.u32 $0xFFFFFFF0, v62  }
0xac: {  	v3 =	vor.u32 v3, v4  }
0xad: {  	v4 =	vperm.xlane v3, v0;
	_ =	sdelay $0x1  }
0xae: {  	v3 =	vperm.xlane v3, v2;
	v4 =	vadd.s32 v1, v4;
	_ =	sdelay $0x1  }
0xaf: {  	v3 =	vadd.s32 v1, v3;
	_ =	sdelay $0x2  }
0xb0: {  	[tilespmem:s12], [sflag:$0x1] =	stream.indirect_vreg.gather [hbm4b:s1+s3], $0x80, v4, vm0, $0xb8;
	[tilespmem:$0x10100] =	vst v63  }
0xb1: {  	_ = 	snop  }
0xb2: {  	[tilespmem:s13], [sflag:$0x1] =	stream.indirect_vreg.gather [hbm4b:s1+s3], $0x80, v3, vm0, $0xb8;
	[tilespmem:$0x10100] =	vst v63  }
0xb3: {  	v3 =	vld [tilespmem:$0xF0];
	_ =	sdelay $0x4  }
0xb4: {  	v63 =	vshll.u32 v3, $0x1  }
0xb5: {  	v3 =	vand.u32 $0x7, v3;
	v4 =	vand.u32 $0xFFFFFFF0, v63  }
0xb6: {  	v3 =	vor.u32 v3, v4  }
0xb7: {  	v4 =	vperm.xlane v3, v0;
	_ =	sdelay $0x1  }
0xb8: {  	v3 =	vperm.xlane v3, v2;
	v4 =	vadd.s32 v1, v4;
	_ =	sdelay $0x1  }
0xb9: {  	v3 =	vadd.s32 v1, v3;
	_ =	sdelay $0x2  }
0xba: {  	[tilespmem:s14], [sflag:$0x1] =	stream.indirect_vreg.gather [hbm4b:s1+s3], $0x80, v4, vm0, $0xb8;
	[tilespmem:$0x10100] =	vst v63  }
0xbb: {  	_ = 	snop  }
0xbc: {  	[tilespmem:s15], [sflag:$0x1] =	stream.indirect_vreg.gather [hbm4b:s1+s3], $0x80, v3, vm0, $0xb8;
	[tilespmem:$0x10100] =	vst v63  }
0xbd: {  	_ =	swait.ge [sflag:s16], $0x8000  }
0xbe: {  	[sflag:s16] =	ssyncset.done $0x0  }
0xbf: {  	[sflag:s16] =	ssyncadd.s32 $0xFFFF8000  }
0xc0: {  	_ =	swait.ge [sflag:s16], $0x8000  }
0xc1: {  	[sflag:s16] =	ssyncset.done $0x0  }
0xc2: {  	s22 =	simm.s32 $0x900;
	s24 =	sadd.s32 $0x0, s5;
	[sflag:s16] =	ssyncadd.s32 $0xFFFF8000  }
0xc3: {  	[hbm4b:s24+s17] =	stream.strided.scatter [tilespmem:s21], [sflag:$0x2], $0x400, s18, s17, $0x38;
	[tilespmem:$0x10100] =	vst v63  }
0xc4: {  	s23 =	simm.s32 $0x500;
	s21 =	simm.s32 $0x200;
	s24 =	sadd.s32 $0x20, s24  }
.LBB2_2:
0xc5: {  	[hbm4b:s24+s17] =	stream.strided.scatter [tilespmem:s23], [sflag:$0x2], $0x400, s18, s17, $0x38;
	[tilespmem:$0x10100] =	vst v63  }
0xc6: {  	s23 =	smov.u32 s21;
	p0 =	sne.s32 s21, $0x1E00  }
.Ltmp0:
0xc7: {  	s21 =	sadd.s32 $0x200, s21;
	(pc) =	sbr.rel @p0 .LBB2_2-.Ltmp0, $4  }
0xc8: {  	_ = 	snop  }
0xc9: {  	s24 =	sadd.s32 s23, s5  }
0xca: {  	[hbm4b:s24+s17] =	stream.strided.scatter [tilespmem:s22], [sflag:$0x2], $0x400, s18, s17, $0x38;
	[tilespmem:$0x10100] =	vst v63  }
0xcb: {  	s23 =	sadd.s32 $0x400, s22;
	s24 =	sadd.s32 $0x20, s24;
	s22 =	sadd.s32 $0x800, s22  }
0xcc: {  	[hbm4b:s24+s17] =	stream.strided.scatter [tilespmem:s23], [sflag:$0x2], $0x400, s18, s17, $0x38;
	[tilespmem:$0x10100] =	vst v63  }
0xcd: {  	s21 =	simm.s32 $0x8100;
	s22 =	sadd.s32 $0x0, s6;
	s23 =	simm.s32 $0x8500  }
0xce: {  	[hbm4b:s22+s17] =	stream.strided.scatter [tilespmem:s21], [sflag:$0x2], $0x400, s18, s17, $0x38;
	[tilespmem:$0x10100] =	vst v63  }
0xcf: {  	s24 =	sadd.s32 $0x20, s22;
	s21 =	simm.s32 $0x200;
	s22 =	simm.s32 $0x8900  }
.LBB2_4:
0xd0: {  	[hbm4b:s24+s17] =	stream.strided.scatter [tilespmem:s23], [sflag:$0x2], $0x400, s18, s17, $0x38;
	[tilespmem:$0x10100] =	vst v63  }
0xd1: {  	s23 =	smov.u32 s21;
	p0 =	sne.s32 s21, $0x1E00  }
.Ltmp1:
0xd2: {  	s21 =	sadd.s32 $0x200, s21;
	(pc) =	sbr.rel @p0 .LBB2_4-.Ltmp1, $4  }
0xd3: {  	_ = 	snop  }
0xd4: {  	s24 =	sadd.s32 s23, s6  }
0xd5: {  	[hbm4b:s24+s17] =	stream.strided.scatter [tilespmem:s22], [sflag:$0x2], $0x400, s18, s17, $0x38;
	[tilespmem:$0x10100] =	vst v63  }
0xd6: {  	s23 =	sadd.s32 $0x400, s22;
	s24 =	sadd.s32 $0x20, s24;
	s22 =	sadd.s32 $0x800, s22  }
0xd7: {  	[hbm4b:s24+s17] =	stream.strided.scatter [tilespmem:s23], [sflag:$0x2], $0x400, s18, s17, $0x38;
	[tilespmem:$0x10100] =	vst v63  }
0xd8: {  	s20 =	sadd.s32 $0x1, s20  }
0xd9: {  	_ =	swait.ge [sflag:s19], $0x8000;
	p0 =	sne.s32 s20, s7  }
.Ltmp2:
0xda: {  	[sflag:s19] =	ssyncset.done $0x0;
	(pc) =	sbr.rel @p0 .LBB2_1-.Ltmp2, $4  }
0xdb: {  	[sflag:s19] =	ssyncadd.s32 $0xFFFF8000  }
0xdc: {  	_ =	swait.ge [sflag:s19], $0x8000  }
0xdd: {  	[sflag:s19] =	ssyncset.done $0x0  }
0xde: {  	[sflag:s19] =	ssyncadd.s32 $0xFFFF8000  }
0xdf: {  	_ =	sfence.sel $0x180000  }
0xe0: {  	[bflag:$0x0] =	sbarrier.arrive $0xFFFF  }
0xe1: {  	_ =	strace $0x90000047  }
0xe2: {  	s0 =	stileid.u32;
	[bflag:$0x2] =	sbarrier.arrive $0xFFFF  }
0xe3: {  	p0 =	sne.s32 s0, $0x0;
	s0 =	rddreg [dreg:$0x3]  }
0xe4: {  	s0 =	sadd.s32 @!p0 $0x100000, s0  }
0xe5: {  	[sflag:s0] =	ssyncadd.tile.s32 @!p0 $0x1;
	_ =	shalt  }
.Lfunc_end2:
_tile_overlayer_lowered:
.L_overlay_start_2:
0xe6: {  	(tag) =	ssettag $0x2  }
0xe7: {  	s0 =	rddreg [dreg:$0x0];
	s2 =	stileid.u32  }
0xe8: {  	s1 =	rddreg [dreg:$0x1];
	p0 =	sne.s32 s2, $0x0  }
0xe9: {  	s3 =	rddreg [dreg:$0x2];
	[bflag:$0x3] =	sbarrier.arrive $0xFFFF;
	s2 =	simm.s32 @!p0 $0x1C03  }
0xea: {  	[timem:s3], [sflag:s2] =	dma.local @!p0 [hbm:s0], s1  }
0xeb: {  	s0 =	simm.s32 @!p0 $0x3  }
0xec: {  	_ =	swait.ge @!p0 [sflag:s0], s1  }
0xed: {  	s1 =	ssub.s32 @!p0 $0x0, s1;
	[sflag:s0] =	ssyncset.done @!p0 $0x0  }
0xee: {  	[sflag:s0] =	ssyncadd.s32 @!p0 s1  }
0xef: {  	[bflag:$0x3] =	sbarrier.arrive $0xFFFF  }
0xf0: {  	_ =	shalt  }

</sc_bundles>
